<compile_context>
chip_gen: v7x
topology: tpu7x:2x2x1
jax: 0.10.2.dev20260603
libtpu: 0.0.44.dev20260713+nightly
codegen_flags: <defaults>
</compile_context>

<pallas_src>
import functools

import jax
import jax.numpy as jnp
from jax import lax
from jax.experimental import pallas as pl
from jax.experimental.pallas import tpu as pltpu
from jax.experimental.pallas import tpu_sc as plsc

_L = 16
_NC = 2
_NS = 16
_NW = _NC * _NS

_ROWS = 128
_COLS = 8192
_RPW = _ROWS // _NW
_PER_SC = _NS * _RPW
_NACC = 8
_STEP = _L * _NACC


def _sc_body(x_hbm, out_hbm, buf, res_v, gbuf, outv, shared, sem):
    cid = lax.axis_index("c")
    sid = lax.axis_index("s")
    wid = cid * _NS + sid
    base = wid * _RPW

    copies = [
        pltpu.async_copy(
            x_hbm.at[pl.ds(base + r, 1)], buf.at[pl.ds(r, 1)], sem
        )
        for r in range(_RPW)
    ]

    lane = lax.iota(jnp.int32, _L)

    def row_body(r, carry):
        sum_vec, max_vec = carry
        pltpu.make_async_copy(
            x_hbm.at[pl.ds(base + r, 1)], buf.at[pl.ds(r, 1)], sem
        ).wait()

        zeros = tuple(jnp.zeros((_L,), jnp.float32) for _ in range(_NACC))

        @plsc.parallel_loop(0, _COLS, step=_STEP, unroll=4,
                            carry=(zeros, zeros))
        def accs(i, carry2, r=r):
            sa, ma = carry2
            e = tuple(
                jnp.exp(buf[r, pl.ds(i + j * _L, _L)]) for j in range(_NACC)
            )
            return (
                tuple(a + ej for a, ej in zip(sa, e)),
                tuple(jnp.maximum(a, ej) for a, ej in zip(ma, e)),
            )

        sa, ma = accs
        s = jnp.sum(functools.reduce(jnp.add, sa))
        mx = jnp.max(functools.reduce(jnp.maximum, ma))
        sum_vec = jnp.where(lane == r, s, sum_vec)
        max_vec = jnp.where(lane == r, mx, max_vec)
        return sum_vec, max_vec

    sum_vec, max_vec = lax.fori_loop(
        0, _RPW, row_body,
        (jnp.ones((_L,), jnp.float32), jnp.zeros((_L,), jnp.float32)),
    )

    res_v[...] = max_vec / sum_vec
    pltpu.sync_copy(res_v, shared.at[sid + _NS])
    plsc.subcore_barrier()

    @pl.when(sid == 0)
    def _():
        pltpu.sync_copy(shared.at[pl.ds(_NS, _NS)], gbuf)
        row_idx = lane >> 2
        col_idx = lane & 3
        for g in range(_RPW):
            vals = plsc.load_gather(gbuf, [row_idx + g * _RPW, col_idx])
            outv[pl.ds(g * _L, _L)] = vals
        pltpu.sync_copy(outv, out_hbm.at[pl.ds(cid * _PER_SC, _PER_SC)])


@functools.partial(
    pl.kernel,
    out_type=jax.ShapeDtypeStruct((_ROWS,), jnp.float32),
    scratch_types=[
        pltpu.VMEM((_RPW, _COLS), jnp.float32),
        pltpu.VMEM((_L,), jnp.float32),
        pltpu.VMEM((_NS, _L), jnp.float32),
        pltpu.VMEM((_PER_SC,), jnp.float32),
        pltpu.VMEM_SHARED((2 * _NS, _L), jnp.float32),
        pltpu.SemaphoreType.DMA,
    ],
    mesh=plsc.VectorSubcoreMesh(core_axis_name="c", subcore_axis_name="s"),
    compiler_params=pltpu.CompilerParams(needs_layout_passes=False),
)
def _confid_sc(x_hbm, out_hbm, buf, res_v, gbuf, outv, shared, sem):
    _sc_body(x_hbm, out_hbm, buf, res_v, gbuf, outv, shared, sem)


def kernel(class_t, dom_res):
    x = jnp.squeeze(class_t)
    return _confid_sc(x)

# --- scband reference (transcript-rebuilt; emitter-appended) ---
"""Pipeline reference for scband-calc-prob-1494648619398 (READ-ONLY COPY).

The authoritative reference and input builder live on the scoring server;
editing this copy changes nothing except your own understanding.
"""

import jax, jax.numpy as jnp
import numpy as np

def setup_inputs(seed: int = 0) -> dict:
    key = jax.random.key(seed)
    k1, k2 = jax.random.split(key, 2)
    class_t = jax.random.normal(k1, (128, 8192), dtype=jnp.float32)
    dom_res = jax.random.normal(k2, (128, 2), dtype=jnp.float32)
    return {"class_t": class_t, "dom_res": dom_res}

def reference(class_t, dom_res):
    # torch: top_prob, top_label = torch.topk(F.softmax(class_t.squeeze()), 1)
    # F.softmax without dim defaults to the last dim for 2D input here.
    x = jnp.squeeze(class_t)
    probs = jax.nn.softmax(x, axis=-1)
    top_prob, top_label = jax.lax.top_k(probs, 1)
    confid_rate = jnp.squeeze(top_prob)
    return confid_rate

if __name__ == "__main__":
    import jax
    _d = setup_inputs()
    print(jax.jit(kernel)(*tuple(_d.values())))

</pallas_src>

<mosaic_0001>
#map = affine_map<(d0, d1) -> (0, 0)>
#map1 = affine_map<(d0, d1) -> (0)>
module attributes {stable_mosaic.version = 14 : i64} {
  func.func @_confid_sc(%arg0: i32, %arg1: i32, %arg2: memref<128x8192xf32, #tpu.memory_space<hbm>>, %arg3: memref<128xf32, #tpu.memory_space<hbm>>, %arg4: memref<4x8192xf32, #tpu.memory_space<vmem>>, %arg5: memref<16xf32, #tpu.memory_space<vmem>>, %arg6: memref<16x16xf32, #tpu.memory_space<vmem>>, %arg7: memref<64xf32, #tpu.memory_space<vmem>>, %arg8: memref<32x16xf32, #tpu.memory_space<vmem_shared>>, %arg9: memref<!tpu.dma_semaphore, #tpu.memory_space<semaphore_mem>>) attributes {dimension_semantics = [#tpu.dimension_semantics<core_parallel>, #tpu.dimension_semantics<subcore_parallel>], iteration_bounds = array<i64: 2, 16>, scalar_prefetch = 0 : i64, scratch_operands = 6 : i64, tpu.core_type = #tpu.core_type<sc_vector_subcore>, window_params = [{transform_indices = #map}, {transform_indices = #map1}]} {
    %mul3A = arith.constant 16 : i32
    %mul3A_0 = arith.muli %arg0, %mul3A : i32
    %add3A = arith.addi %mul3A_0, %arg1 : i32
    %mul3A_1 = arith.constant 4 : i32
    %mul3A_2 = arith.muli %add3A, %mul3A_1 : i32
    %add3A_3 = arith.constant 0 : i32
    %add3A_4 = arith.addi %mul3A_2, %add3A_3 : i32
    %dma_start3A = arith.constant 0 : i32
    %dma_start3A_5 = arith.constant 0 : i32
    %dma_start3A_6 = tpu.memref_slice %arg4[%dma_start3A, %dma_start3A_5] : memref<4x8192xf32, #tpu.memory_space<vmem>> -> memref<1x8192xf32, #tpu.memory_space<vmem>>
    %dma_start3A_7 = arith.constant 0 : i32
    %dma_start3A_8 = tpu.memref_slice %arg2[%add3A_4, %dma_start3A_7] : memref<128x8192xf32, #tpu.memory_space<hbm>> -> memref<1x8192xf32, #tpu.memory_space<hbm>>
    %dma_start3A_9 = arith.constant 0 : i32
    %dma_start3A_10 = arith.constant 0 : i32
    %dma_start3A_11 = tpu.memref_slice %arg4[%dma_start3A_9, %dma_start3A_10] : memref<4x8192xf32, #tpu.memory_space<vmem>> -> memref<1x8192xf32, #tpu.memory_space<vmem>>
    %dma_start3A_12 = arith.constant 0 : i32
    %dma_start3A_13 = tpu.memref_slice %arg2[%add3A_4, %dma_start3A_12] : memref<128x8192xf32, #tpu.memory_space<hbm>> -> memref<1x8192xf32, #tpu.memory_space<hbm>>
    tpu.enqueue_dma source(%dma_start3A_13 : memref<1x8192xf32, #tpu.memory_space<hbm>>) target(%dma_start3A_11 : memref<1x8192xf32, #tpu.memory_space<vmem>>) target_semaphore(%arg9 : memref<!tpu.dma_semaphore, #tpu.memory_space<semaphore_mem>>)
    %add3A_14 = arith.constant 1 : i32
    %add3A_15 = arith.addi %mul3A_2, %add3A_14 : i32
    %dma_start3A_16 = arith.constant 1 : i32
    %dma_start3A_17 = arith.constant 0 : i32
    %dma_start3A_18 = tpu.memref_slice %arg4[%dma_start3A_16, %dma_start3A_17] : memref<4x8192xf32, #tpu.memory_space<vmem>> -> memref<1x8192xf32, #tpu.memory_space<vmem>>
    %dma_start3A_19 = arith.constant 0 : i32
    %dma_start3A_20 = tpu.memref_slice %arg2[%add3A_15, %dma_start3A_19] : memref<128x8192xf32, #tpu.memory_space<hbm>> -> memref<1x8192xf32, #tpu.memory_space<hbm>>
    %dma_start3A_21 = arith.constant 1 : i32
    %dma_start3A_22 = arith.constant 0 : i32
    %dma_start3A_23 = tpu.memref_slice %arg4[%dma_start3A_21, %dma_start3A_22] : memref<4x8192xf32, #tpu.memory_space<vmem>> -> memref<1x8192xf32, #tpu.memory_space<vmem>>
    %dma_start3A_24 = arith.constant 0 : i32
    %dma_start3A_25 = tpu.memref_slice %arg2[%add3A_15, %dma_start3A_24] : memref<128x8192xf32, #tpu.memory_space<hbm>> -> memref<1x8192xf32, #tpu.memory_space<hbm>>
    tpu.enqueue_dma source(%dma_start3A_25 : memref<1x8192xf32, #tpu.memory_space<hbm>>) target(%dma_start3A_23 : memref<1x8192xf32, #tpu.memory_space<vmem>>) target_semaphore(%arg9 : memref<!tpu.dma_semaphore, #tpu.memory_space<semaphore_mem>>)
    %add3A_26 = arith.constant 2 : i32
    %add3A_27 = arith.addi %mul3A_2, %add3A_26 : i32
    %dma_start3A_28 = arith.constant 2 : i32
    %dma_start3A_29 = arith.constant 0 : i32
    %dma_start3A_30 = tpu.memref_slice %arg4[%dma_start3A_28, %dma_start3A_29] : memref<4x8192xf32, #tpu.memory_space<vmem>> -> memref<1x8192xf32, #tpu.memory_space<vmem>>
    %dma_start3A_31 = arith.constant 0 : i32
    %dma_start3A_32 = tpu.memref_slice %arg2[%add3A_27, %dma_start3A_31] : memref<128x8192xf32, #tpu.memory_space<hbm>> -> memref<1x8192xf32, #tpu.memory_space<hbm>>
    %dma_start3A_33 = arith.constant 2 : i32
    %dma_start3A_34 = arith.constant 0 : i32
    %dma_start3A_35 = tpu.memref_slice %arg4[%dma_start3A_33, %dma_start3A_34] : memref<4x8192xf32, #tpu.memory_space<vmem>> -> memref<1x8192xf32, #tpu.memory_space<vmem>>
    %dma_start3A_36 = arith.constant 0 : i32
    %dma_start3A_37 = tpu.memref_slice %arg2[%add3A_27, %dma_start3A_36] : memref<128x8192xf32, #tpu.memory_space<hbm>> -> memref<1x8192xf32, #tpu.memory_space<hbm>>
    tpu.enqueue_dma source(%dma_start3A_37 : memref<1x8192xf32, #tpu.memory_space<hbm>>) target(%dma_start3A_35 : memref<1x8192xf32, #tpu.memory_space<vmem>>) target_semaphore(%arg9 : memref<!tpu.dma_semaphore, #tpu.memory_space<semaphore_mem>>)
    %add3A_38 = arith.constant 3 : i32
    %add3A_39 = arith.addi %mul3A_2, %add3A_38 : i32
    %dma_start3A_40 = arith.constant 3 : i32
    %dma_start3A_41 = arith.constant 0 : i32
    %dma_start3A_42 = tpu.memref_slice %arg4[%dma_start3A_40, %dma_start3A_41] : memref<4x8192xf32, #tpu.memory_space<vmem>> -> memref<1x8192xf32, #tpu.memory_space<vmem>>
    %dma_start3A_43 = arith.constant 0 : i32
    %dma_start3A_44 = tpu.memref_slice %arg2[%add3A_39, %dma_start3A_43] : memref<128x8192xf32, #tpu.memory_space<hbm>> -> memref<1x8192xf32, #tpu.memory_space<hbm>>
    %dma_start3A_45 = arith.constant 3 : i32
    %dma_start3A_46 = arith.constant 0 : i32
    %dma_start3A_47 = tpu.memref_slice %arg4[%dma_start3A_45, %dma_start3A_46] : memref<4x8192xf32, #tpu.memory_space<vmem>> -> memref<1x8192xf32, #tpu.memory_space<vmem>>
    %dma_start3A_48 = arith.constant 0 : i32
    %dma_start3A_49 = tpu.memref_slice %arg2[%add3A_39, %dma_start3A_48] : memref<128x8192xf32, #tpu.memory_space<hbm>> -> memref<1x8192xf32, #tpu.memory_space<hbm>>
    tpu.enqueue_dma source(%dma_start3A_49 : memref<1x8192xf32, #tpu.memory_space<hbm>>) target(%dma_start3A_47 : memref<1x8192xf32, #tpu.memory_space<vmem>>) target_semaphore(%arg9 : memref<!tpu.dma_semaphore, #tpu.memory_space<semaphore_mem>>)
    %iota3A = tpu.iota {dimensions = array<i32: 0>} : vector<16xi32>
    %broadcast_in_dim3A = arith.constant 1.000000e+00 : f32
    %broadcast_in_dim3A_50 = vector.broadcast %broadcast_in_dim3A : f32 to vector<16xf32>
    %broadcast_in_dim3A_51 = arith.constant 0.000000e+00 : f32
    %broadcast_in_dim3A_52 = vector.broadcast %broadcast_in_dim3A_51 : f32 to vector<16xf32>
    %scan3A = arith.constant 0 : i32
    %scan3A_53 = arith.constant 4 : i32
    %scan3A_54 = arith.addi %scan3A, %scan3A_53 : i32
    %scan3A_55 = arith.constant 1 : i32
    %scan3A_56:2 = scf.for %scan3A_63 = %scan3A to %scan3A_54 step %scan3A_55 iter_args(%scan3A_64 = %broadcast_in_dim3A_50, %scan3A_65 = %broadcast_in_dim3A_52) -> (vector<16xf32>, vector<16xf32>)  : i32 {
      %add3A_66 = arith.addi %mul3A_2, %scan3A_63 : i32
      %dma_wait3A = arith.constant 0 : i32
      %dma_wait3A_67 = tpu.memref_slice %arg4[%scan3A_63, %dma_wait3A] : memref<4x8192xf32, #tpu.memory_space<vmem>> -> memref<1x8192xf32, #tpu.memory_space<vmem>>
      %dma_wait3A_68 = arith.constant 0 : i32
      %dma_wait3A_69 = tpu.memref_slice %arg2[%add3A_66, %dma_wait3A_68] : memref<128x8192xf32, #tpu.memory_space<hbm>> -> memref<1x8192xf32, #tpu.memory_space<hbm>>
      %dma_wait3A_70 = arith.constant 0 : i32
      %dma_wait3A_71 = tpu.memref_slice %arg4[%scan3A_63, %dma_wait3A_70] : memref<4x8192xf32, #tpu.memory_space<vmem>> -> memref<1x8192xf32, #tpu.memory_space<vmem>>
      %dma_wait3A_72 = arith.constant 0 : i32
      %dma_wait3A_73 = tpu.memref_slice %arg2[%add3A_66, %dma_wait3A_72] : memref<128x8192xf32, #tpu.memory_space<hbm>> -> memref<1x8192xf32, #tpu.memory_space<hbm>>
      tpu.wait_dma2 semaphore(%arg9 : memref<!tpu.dma_semaphore, #tpu.memory_space<semaphore_mem>>) src(%dma_wait3A_73 : memref<1x8192xf32, #tpu.memory_space<hbm>>) dst(%dma_wait3A_71 : memref<1x8192xf32, #tpu.memory_space<vmem>>)
      %broadcast_in_dim3A_74 = arith.constant 0.000000e+00 : f32
      %broadcast_in_dim3A_75 = vector.broadcast %broadcast_in_dim3A_74 : f32 to vector<16xf32>
      %broadcast_in_dim3A_76 = arith.constant 0.000000e+00 : f32
      %broadcast_in_dim3A_77 = vector.broadcast %broadcast_in_dim3A_76 : f32 to vector<16xf32>
      %broadcast_in_dim3A_78 = arith.constant 0.000000e+00 : f32
      %broadcast_in_dim3A_79 = vector.broadcast %broadcast_in_dim3A_78 : f32 to vector<16xf32>
      %broadcast_in_dim3A_80 = arith.constant 0.000000e+00 : f32
      %broadcast_in_dim3A_81 = vector.broadcast %broadcast_in_dim3A_80 : f32 to vector<16xf32>
      %broadcast_in_dim3A_82 = arith.constant 0.000000e+00 : f32
      %broadcast_in_dim3A_83 = vector.broadcast %broadcast_in_dim3A_82 : f32 to vector<16xf32>
      %broadcast_in_dim3A_84 = arith.constant 0.000000e+00 : f32
      %broadcast_in_dim3A_85 = vector.broadcast %broadcast_in_dim3A_84 : f32 to vector<16xf32>
      %broadcast_in_dim3A_86 = arith.constant 0.000000e+00 : f32
      %broadcast_in_dim3A_87 = vector.broadcast %broadcast_in_dim3A_86 : f32 to vector<16xf32>
      %broadcast_in_dim3A_88 = arith.constant 0.000000e+00 : f32
      %broadcast_in_dim3A_89 = vector.broadcast %broadcast_in_dim3A_88 : f32 to vector<16xf32>
      %parallel_loop3A = arith.constant 0 : i32
      %parallel_loop3A_90 = arith.constant 8192 : i32
      %parallel_loop3A_91 = arith.constant 128 : i32
      %parallel_loop3A_92:16 = scf.for %parallel_loop3A_119 = %parallel_loop3A to %parallel_loop3A_90 step %parallel_loop3A_91 iter_args(%parallel_loop3A_120 = %broadcast_in_dim3A_75, %parallel_loop3A_121 = %broadcast_in_dim3A_77, %parallel_loop3A_122 = %broadcast_in_dim3A_79, %parallel_loop3A_123 = %broadcast_in_dim3A_81, %parallel_loop3A_124 = %broadcast_in_dim3A_83, %parallel_loop3A_125 = %broadcast_in_dim3A_85, %parallel_loop3A_126 = %broadcast_in_dim3A_87, %parallel_loop3A_127 = %broadcast_in_dim3A_89, %parallel_loop3A_128 = %broadcast_in_dim3A_75, %parallel_loop3A_129 = %broadcast_in_dim3A_77, %parallel_loop3A_130 = %broadcast_in_dim3A_79, %parallel_loop3A_131 = %broadcast_in_dim3A_81, %parallel_loop3A_132 = %broadcast_in_dim3A_83, %parallel_loop3A_133 = %broadcast_in_dim3A_85, %parallel_loop3A_134 = %broadcast_in_dim3A_87, %parallel_loop3A_135 = %broadcast_in_dim3A_89) -> (vector<16xf32>, vector<16xf32>, vector<16xf32>, vector<16xf32>, vector<16xf32>, vector<16xf32>, vector<16xf32>, vector<16xf32>, vector<16xf32>, vector<16xf32>, vector<16xf32>, vector<16xf32>, vector<16xf32>, vector<16xf32>, vector<16xf32>, vector<16xf32>)  : i32 {
        %parallel_loop3A_136 = arith.constant 0 : i32
        %parallel_loop3A_137 = arith.addi %parallel_loop3A_119, %parallel_loop3A_136 : i32
        %parallel_loop3A_138 = arith.index_cast %scan3A_63 : i32 to index
        %parallel_loop3A_139 = arith.index_cast %parallel_loop3A_137 : i32 to index
        %parallel_loop3A_140 = tpu.vector_load %arg4[%parallel_loop3A_138, %parallel_loop3A_139] {strides = array<i32>} : memref<4x8192xf32, #tpu.memory_space<vmem>>, vector<16xf32>,
        %parallel_loop3A_141 = math.exp %parallel_loop3A_140 : vector<16xf32>
        %parallel_loop3A_142 = arith.constant 16 : i32
        %parallel_loop3A_143 = arith.addi %parallel_loop3A_119, %parallel_loop3A_142 : i32
        %parallel_loop3A_144 = arith.index_cast %scan3A_63 : i32 to index
        %parallel_loop3A_145 = arith.index_cast %parallel_loop3A_143 : i32 to index
        %parallel_loop3A_146 = tpu.vector_load %arg4[%parallel_loop3A_144, %parallel_loop3A_145] {strides = array<i32>} : memref<4x8192xf32, #tpu.memory_space<vmem>>, vector<16xf32>,
        %parallel_loop3A_147 = math.exp %parallel_loop3A_146 : vector<16xf32>
        %parallel_loop3A_148 = arith.constant 32 : i32
        %parallel_loop3A_149 = arith.addi %parallel_loop3A_119, %parallel_loop3A_148 : i32
        %parallel_loop3A_150 = arith.index_cast %scan3A_63 : i32 to index
        %parallel_loop3A_151 = arith.index_cast %parallel_loop3A_149 : i32 to index
        %parallel_loop3A_152 = tpu.vector_load %arg4[%parallel_loop3A_150, %parallel_loop3A_151] {strides = array<i32>} : memref<4x8192xf32, #tpu.memory_space<vmem>>, vector<16xf32>,
        %parallel_loop3A_153 = math.exp %parallel_loop3A_152 : vector<16xf32>
        %parallel_loop3A_154 = arith.constant 48 : i32
        %parallel_loop3A_155 = arith.addi %parallel_loop3A_119, %parallel_loop3A_154 : i32
        %parallel_loop3A_156 = arith.index_cast %scan3A_63 : i32 to index
        %parallel_loop3A_157 = arith.index_cast %parallel_loop3A_155 : i32 to index
        %parallel_loop3A_158 = tpu.vector_load %arg4[%parallel_loop3A_156, %parallel_loop3A_157] {strides = array<i32>} : memref<4x8192xf32, #tpu.memory_space<vmem>>, vector<16xf32>,
        %parallel_loop3A_159 = math.exp %parallel_loop3A_158 : vector<16xf32>
        %parallel_loop3A_160 = arith.constant 64 : i32
        %parallel_loop3A_161 = arith.addi %parallel_loop3A_119, %parallel_loop3A_160 : i32
        %parallel_loop3A_162 = arith.index_cast %scan3A_63 : i32 to index
        %parallel_loop3A_163 = arith.index_cast %parallel_loop3A_161 : i32 to index
        %parallel_loop3A_164 = tpu.vector_load %arg4[%parallel_loop3A_162, %parallel_loop3A_163] {strides = array<i32>} : memref<4x8192xf32, #tpu.memory_space<vmem>>, vector<16xf32>,
        %parallel_loop3A_165 = math.exp %parallel_loop3A_164 : vector<16xf32>
        %parallel_loop3A_166 = arith.constant 80 : i32
        %parallel_loop3A_167 = arith.addi %parallel_loop3A_119, %parallel_loop3A_166 : i32
        %parallel_loop3A_168 = arith.index_cast %scan3A_63 : i32 to index
        %parallel_loop3A_169 = arith.index_cast %parallel_loop3A_167 : i32 to index
        %parallel_loop3A_170 = tpu.vector_load %arg4[%parallel_loop3A_168, %parallel_loop3A_169] {strides = array<i32>} : memref<4x8192xf32, #tpu.memory_space<vmem>>, vector<16xf32>,
        %parallel_loop3A_171 = math.exp %parallel_loop3A_170 : vector<16xf32>
        %parallel_loop3A_172 = arith.constant 96 : i32
        %parallel_loop3A_173 = arith.addi %parallel_loop3A_119, %parallel_loop3A_172 : i32
        %parallel_loop3A_174 = arith.index_cast %scan3A_63 : i32 to index
        %parallel_loop3A_175 = arith.index_cast %parallel_loop3A_173 : i32 to index
        %parallel_loop3A_176 = tpu.vector_load %arg4[%parallel_loop3A_174, %parallel_loop3A_175] {strides = array<i32>} : memref<4x8192xf32, #tpu.memory_space<vmem>>, vector<16xf32>,
        %parallel_loop3A_177 = math.exp %parallel_loop3A_176 : vector<16xf32>
        %parallel_loop3A_178 = arith.constant 112 : i32
        %parallel_loop3A_179 = arith.addi %parallel_loop3A_119, %parallel_loop3A_178 : i32
        %parallel_loop3A_180 = arith.index_cast %scan3A_63 : i32 to index
        %parallel_loop3A_181 = arith.index_cast %parallel_loop3A_179 : i32 to index
        %parallel_loop3A_182 = tpu.vector_load %arg4[%parallel_loop3A_180, %parallel_loop3A_181] {strides = array<i32>} : memref<4x8192xf32, #tpu.memory_space<vmem>>, vector<16xf32>,
        %parallel_loop3A_183 = math.exp %parallel_loop3A_182 : vector<16xf32>
        %parallel_loop3A_184 = arith.addf %parallel_loop3A_120, %parallel_loop3A_141 : vector<16xf32>
        %parallel_loop3A_185 = arith.addf %parallel_loop3A_121, %parallel_loop3A_147 : vector<16xf32>
        %parallel_loop3A_186 = arith.addf %parallel_loop3A_122, %parallel_loop3A_153 : vector<16xf32>
        %parallel_loop3A_187 = arith.addf %parallel_loop3A_123, %parallel_loop3A_159 : vector<16xf32>
        %parallel_loop3A_188 = arith.addf %parallel_loop3A_124, %parallel_loop3A_165 : vector<16xf32>
        %parallel_loop3A_189 = arith.addf %parallel_loop3A_125, %parallel_loop3A_171 : vector<16xf32>
        %parallel_loop3A_190 = arith.addf %parallel_loop3A_126, %parallel_loop3A_177 : vector<16xf32>
        %parallel_loop3A_191 = arith.addf %parallel_loop3A_127, %parallel_loop3A_183 : vector<16xf32>
        %parallel_loop3A_192 = arith.maximumf %parallel_loop3A_128, %parallel_loop3A_141 : vector<16xf32>
        %parallel_loop3A_193 = arith.maximumf %parallel_loop3A_129, %parallel_loop3A_147 : vector<16xf32>
        %parallel_loop3A_194 = arith.maximumf %parallel_loop3A_130, %parallel_loop3A_153 : vector<16xf32>
        %parallel_loop3A_195 = arith.maximumf %parallel_loop3A_131, %parallel_loop3A_159 : vector<16xf32>
        %parallel_loop3A_196 = arith.maximumf %parallel_loop3A_132, %parallel_loop3A_165 : vector<16xf32>
        %parallel_loop3A_197 = arith.maximumf %parallel_loop3A_133, %parallel_loop3A_171 : vector<16xf32>
        %parallel_loop3A_198 = arith.maximumf %parallel_loop3A_134, %parallel_loop3A_177 : vector<16xf32>
        %parallel_loop3A_199 = arith.maximumf %parallel_loop3A_135, %parallel_loop3A_183 : vector<16xf32>
        scf.yield %parallel_loop3A_184, %parallel_loop3A_185, %parallel_loop3A_186, %parallel_loop3A_187, %parallel_loop3A_188, %parallel_loop3A_189, %parallel_loop3A_190, %parallel_loop3A_191, %parallel_loop3A_192, %parallel_loop3A_193, %parallel_loop3A_194, %parallel_loop3A_195, %parallel_loop3A_196, %parallel_loop3A_197, %parallel_loop3A_198, %parallel_loop3A_199 : vector<16xf32>, vector<16xf32>, vector<16xf32>, vector<16xf32>, vector<16xf32>, vector<16xf32>, vector<16xf32>, vector<16xf32>, vector<16xf32>, vector<16xf32>, vector<16xf32>, vector<16xf32>, vector<16xf32>, vector<16xf32>, vector<16xf32>, vector<16xf32>
      } {sc.loop_unroll_factor = 4 : i64, sc.parallel_access}
      %add3A_93 = arith.addf %parallel_loop3A_92#0, %parallel_loop3A_92#1 : vector<16xf32>
      %add3A_94 = arith.addf %add3A_93, %parallel_loop3A_92#2 : vector<16xf32>
      %add3A_95 = arith.addf %add3A_94, %parallel_loop3A_92#3 : vector<16xf32>
      %add3A_96 = arith.addf %add3A_95, %parallel_loop3A_92#4 : vector<16xf32>
      %add3A_97 = arith.addf %add3A_96, %parallel_loop3A_92#5 : vector<16xf32>
      %add3A_98 = arith.addf %add3A_97, %parallel_loop3A_92#6 : vector<16xf32>
      %add3A_99 = arith.addf %add3A_98, %parallel_loop3A_92#7 : vector<16xf32>
      %reduce_sum3A = arith.constant true
      %reduce_sum3A_100 = vector.broadcast %reduce_sum3A : i1 to vector<16xi1>
      %reduce_sum3A_101 = tpu.scan <sum>, %add3A_99 masked %reduce_sum3A_100 : vector<16xf32>, vector<16xi1> -> vector<16xf32>
      %reduce_sum3A_102 = vector.extract %reduce_sum3A_101[15] : f32 from vector<16xf32>
      %max3A = arith.maximumf %parallel_loop3A_92#8, %parallel_loop3A_92#9 : vector<16xf32>
      %max3A_103 = arith.maximumf %max3A, %parallel_loop3A_92#10 : vector<16xf32>
      %max3A_104 = arith.maximumf %max3A_103, %parallel_loop3A_92#11 : vector<16xf32>
      %max3A_105 = arith.maximumf %max3A_104, %parallel_loop3A_92#12 : vector<16xf32>
      %max3A_106 = arith.maximumf %max3A_105, %parallel_loop3A_92#13 : vector<16xf32>
      %max3A_107 = arith.maximumf %max3A_106, %parallel_loop3A_92#14 : vector<16xf32>
      %max3A_108 = arith.maximumf %max3A_107, %parallel_loop3A_92#15 : vector<16xf32>
      %reduce_max3A = arith.constant true
      %reduce_max3A_109 = vector.broadcast %reduce_max3A : i1 to vector<16xi1>
      %reduce_max3A_110 = tpu.scan <max>, %max3A_108 masked %reduce_max3A_109 : vector<16xf32>, vector<16xi1> -> vector<16xf32>
      %reduce_max3A_111 = vector.extract %reduce_max3A_110[15] : f32 from vector<16xf32>
      %eq3A_112 = vector.broadcast %scan3A_63 : i32 to vector<16xi32>
      %eq3A_113 = arith.cmpi eq, %iota3A, %eq3A_112 : vector<16xi32>
      %broadcast_in_dim3A_114 = vector.broadcast %reduce_sum3A_102 : f32 to vector<16xf32>
      %select_n3A = arith.select %eq3A_113, %broadcast_in_dim3A_114, %scan3A_64 : vector<16xi1>, vector<16xf32>
      %eq3A_115 = vector.broadcast %scan3A_63 : i32 to vector<16xi32>
      %eq3A_116 = arith.cmpi eq, %iota3A, %eq3A_115 : vector<16xi32>
      %broadcast_in_dim3A_117 = vector.broadcast %reduce_max3A_111 : f32 to vector<16xf32>
      %select_n3A_118 = arith.select %eq3A_116, %broadcast_in_dim3A_117, %scan3A_65 : vector<16xi1>, vector<16xf32>
      scf.yield %select_n3A, %select_n3A_118 : vector<16xf32>, vector<16xf32>
    }
    %scan3A_57 = arith.constant 4 : i32
    %div3A = arith.divf %scan3A_56#1, %scan3A_56#0 : vector<16xf32>
    %swap3A = arith.constant 0 : index
    %swap3A_58 = tpu.vector_load %arg5[%swap3A] {strides = array<i32>} : memref<16xf32, #tpu.memory_space<vmem>>, vector<16xf32>,
    tpu.vector_store %arg5[%swap3A], %div3A {strides = array<i32>} : memref<16xf32, #tpu.memory_space<vmem>>, vector<16xf32>,
    %add3A_59 = arith.constant 16 : i32
    %add3A_60 = arith.addi %arg1, %add3A_59 : i32
    "tpu.region"() ({
      %run_scoped3A = tpu.sem_alloc : memref<!tpu.dma_semaphore, #tpu.memory_space<semaphore_mem>>
      %dma_start3A_63 = arith.constant 0 : i32
      %dma_start3A_64 = tpu.memref_slice %arg8[%add3A_60, %dma_start3A_63] : memref<32x16xf32, #tpu.memory_space<vmem_shared>> -> memref<1x16xf32, #tpu.memory_space<vmem_shared>>
      %dma_start3A_65 = tpu.memref_squeeze %dma_start3A_64 : memref<1x16xf32, #tpu.memory_space<vmem_shared>> -> memref<16xf32, #tpu.memory_space<vmem_shared>>
      %dma_start3A_66 = arith.constant 0 : i32
      %dma_start3A_67 = tpu.memref_slice %arg8[%add3A_60, %dma_start3A_66] : memref<32x16xf32, #tpu.memory_space<vmem_shared>> -> memref<1x16xf32, #tpu.memory_space<vmem_shared>>
      %dma_start3A_68 = tpu.memref_squeeze %dma_start3A_67 : memref<1x16xf32, #tpu.memory_space<vmem_shared>> -> memref<16xf32, #tpu.memory_space<vmem_shared>>
      tpu.enqueue_dma source(%arg5 : memref<16xf32, #tpu.memory_space<vmem>>) target(%dma_start3A_68 : memref<16xf32, #tpu.memory_space<vmem_shared>>) target_semaphore(%run_scoped3A : memref<!tpu.dma_semaphore, #tpu.memory_space<semaphore_mem>>)
      %dma_wait3A = arith.constant 0 : i32
      %dma_wait3A_69 = tpu.memref_slice %arg8[%add3A_60, %dma_wait3A] : memref<32x16xf32, #tpu.memory_space<vmem_shared>> -> memref<1x16xf32, #tpu.memory_space<vmem_shared>>
      %dma_wait3A_70 = tpu.memref_squeeze %dma_wait3A_69 : memref<1x16xf32, #tpu.memory_space<vmem_shared>> -> memref<16xf32, #tpu.memory_space<vmem_shared>>
      %dma_wait3A_71 = arith.constant 0 : i32
      %dma_wait3A_72 = tpu.memref_slice %arg8[%add3A_60, %dma_wait3A_71] : memref<32x16xf32, #tpu.memory_space<vmem_shared>> -> memref<1x16xf32, #tpu.memory_space<vmem_shared>>
      %dma_wait3A_73 = tpu.memref_squeeze %dma_wait3A_72 : memref<1x16xf32, #tpu.memory_space<vmem_shared>> -> memref<16xf32, #tpu.memory_space<vmem_shared>>
      tpu.wait_dma2 semaphore(%run_scoped3A : memref<!tpu.dma_semaphore, #tpu.memory_space<semaphore_mem>>) src(%arg5 : memref<16xf32, #tpu.memory_space<vmem>>) dst(%dma_wait3A_73 : memref<16xf32, #tpu.memory_space<vmem_shared>>)
      tpu.yield
    }) : () -> ()
    %barrier3A = arith.constant 0 : index
    tpu.barrier barrier_id(%barrier3A)
    %eq3A = arith.constant 0 : i32
    %eq3A_61 = arith.cmpi eq, %arg1, %eq3A : i32
    %convert_element_type3A = arith.extui %eq3A_61 : i1 to i32
    %cond3A = arith.constant 0 : i32
    %cond3A_62 = arith.cmpi ne, %convert_element_type3A, %cond3A : i32
    scf.if %cond3A_62 {
      "tpu.region"() ({
        %run_scoped3A = tpu.sem_alloc : memref<!tpu.dma_semaphore, #tpu.memory_space<semaphore_mem>>
        %dma_start3A_92 = arith.constant 16 : i32
        %dma_start3A_93 = arith.constant 0 : i32
        %dma_start3A_94 = tpu.memref_slice %arg8[%dma_start3A_92, %dma_start3A_93] : memref<32x16xf32, #tpu.memory_space<vmem_shared>> -> memref<16x16xf32, #tpu.memory_space<vmem_shared>>
        %dma_start3A_95 = arith.constant 16 : i32
        %dma_start3A_96 = arith.constant 0 : i32
        %dma_start3A_97 = tpu.memref_slice %arg8[%dma_start3A_95, %dma_start3A_96] : memref<32x16xf32, #tpu.memory_space<vmem_shared>> -> memref<16x16xf32, #tpu.memory_space<vmem_shared>>
        tpu.enqueue_dma source(%dma_start3A_97 : memref<16x16xf32, #tpu.memory_space<vmem_shared>>) target(%arg6 : memref<16x16xf32, #tpu.memory_space<vmem>>) target_semaphore(%run_scoped3A : memref<!tpu.dma_semaphore, #tpu.memory_space<semaphore_mem>>)
        %dma_wait3A = arith.constant 16 : i32
        %dma_wait3A_98 = arith.constant 0 : i32
        %dma_wait3A_99 = tpu.memref_slice %arg8[%dma_wait3A, %dma_wait3A_98] : memref<32x16xf32, #tpu.memory_space<vmem_shared>> -> memref<16x16xf32, #tpu.memory_space<vmem_shared>>
        %dma_wait3A_100 = arith.constant 16 : i32
        %dma_wait3A_101 = arith.constant 0 : i32
        %dma_wait3A_102 = tpu.memref_slice %arg8[%dma_wait3A_100, %dma_wait3A_101] : memref<32x16xf32, #tpu.memory_space<vmem_shared>> -> memref<16x16xf32, #tpu.memory_space<vmem_shared>>
        tpu.wait_dma2 semaphore(%run_scoped3A : memref<!tpu.dma_semaphore, #tpu.memory_space<semaphore_mem>>) src(%dma_wait3A_102 : memref<16x16xf32, #tpu.memory_space<vmem_shared>>) dst(%arg6 : memref<16x16xf32, #tpu.memory_space<vmem>>)
        tpu.yield
      }) : () -> ()
      %shift_right_arithmetic3A = arith.constant 2 : i32
      %shift_right_arithmetic3A_63 = vector.broadcast %shift_right_arithmetic3A : i32 to vector<16xi32>
      %shift_right_arithmetic3A_64 = arith.shrsi %iota3A, %shift_right_arithmetic3A_63 : vector<16xi32>
      %and3A = arith.constant 3 : i32
      %and3A_65 = vector.broadcast %and3A : i32 to vector<16xi32>
      %and3A_66 = arith.andi %iota3A, %and3A_65 : vector<16xi32>
      %add3A_67 = arith.constant 0 : i32
      %add3A_68 = vector.broadcast %add3A_67 : i32 to vector<16xi32>
      %add3A_69 = arith.addi %shift_right_arithmetic3A_64, %add3A_68 : vector<16xi32>
      %gather3A = tpu.vector_load_idx %arg6[%add3A_69, %and3A_66] : memref<16x16xf32, #tpu.memory_space<vmem>>[vector<16xi32>, vector<16xi32>], vector<16xf32>,
      %swap3A_70 = arith.constant 0 : index
      %swap3A_71 = tpu.vector_load %arg7[%swap3A_70] {strides = array<i32>} : memref<64xf32, #tpu.memory_space<vmem>>, vector<16xf32>,
      tpu.vector_store %arg7[%swap3A_70], %gather3A {strides = array<i32>} : memref<64xf32, #tpu.memory_space<vmem>>, vector<16xf32>,
      %add3A_72 = arith.constant 4 : i32
      %add3A_73 = vector.broadcast %add3A_72 : i32 to vector<16xi32>
      %add3A_74 = arith.addi %shift_right_arithmetic3A_64, %add3A_73 : vector<16xi32>
      %gather3A_75 = tpu.vector_load_idx %arg6[%add3A_74, %and3A_66] : memref<16x16xf32, #tpu.memory_space<vmem>>[vector<16xi32>, vector<16xi32>], vector<16xf32>,
      %swap3A_76 = arith.constant 16 : index
      %swap3A_77 = tpu.vector_load %arg7[%swap3A_76] {strides = array<i32>} : memref<64xf32, #tpu.memory_space<vmem>>, vector<16xf32>,
      tpu.vector_store %arg7[%swap3A_76], %gather3A_75 {strides = array<i32>} : memref<64xf32, #tpu.memory_space<vmem>>, vector<16xf32>,
      %add3A_78 = arith.constant 8 : i32
      %add3A_79 = vector.broadcast %add3A_78 : i32 to vector<16xi32>
      %add3A_80 = arith.addi %shift_right_arithmetic3A_64, %add3A_79 : vector<16xi32>
      %gather3A_81 = tpu.vector_load_idx %arg6[%add3A_80, %and3A_66] : memref<16x16xf32, #tpu.memory_space<vmem>>[vector<16xi32>, vector<16xi32>], vector<16xf32>,
      %swap3A_82 = arith.constant 32 : index
      %swap3A_83 = tpu.vector_load %arg7[%swap3A_82] {strides = array<i32>} : memref<64xf32, #tpu.memory_space<vmem>>, vector<16xf32>,
      tpu.vector_store %arg7[%swap3A_82], %gather3A_81 {strides = array<i32>} : memref<64xf32, #tpu.memory_space<vmem>>, vector<16xf32>,
      %add3A_84 = arith.constant 12 : i32
      %add3A_85 = vector.broadcast %add3A_84 : i32 to vector<16xi32>
      %add3A_86 = arith.addi %shift_right_arithmetic3A_64, %add3A_85 : vector<16xi32>
      %gather3A_87 = tpu.vector_load_idx %arg6[%add3A_86, %and3A_66] : memref<16x16xf32, #tpu.memory_space<vmem>>[vector<16xi32>, vector<16xi32>], vector<16xf32>,
      %swap3A_88 = arith.constant 48 : index
      %swap3A_89 = tpu.vector_load %arg7[%swap3A_88] {strides = array<i32>} : memref<64xf32, #tpu.memory_space<vmem>>, vector<16xf32>,
      tpu.vector_store %arg7[%swap3A_88], %gather3A_87 {strides = array<i32>} : memref<64xf32, #tpu.memory_space<vmem>>, vector<16xf32>,
      %mul3A_90 = arith.constant 64 : i32
      %mul3A_91 = arith.muli %arg0, %mul3A_90 : i32
      "tpu.region"() ({
        %run_scoped3A = tpu.sem_alloc : memref<!tpu.dma_semaphore, #tpu.memory_space<semaphore_mem>>
        %dma_start3A_92 = tpu.memref_slice %arg3[%mul3A_91] : memref<128xf32, #tpu.memory_space<hbm>> -> memref<64xf32, #tpu.memory_space<hbm>>
        %dma_start3A_93 = tpu.memref_slice %arg3[%mul3A_91] : memref<128xf32, #tpu.memory_space<hbm>> -> memref<64xf32, #tpu.memory_space<hbm>>
        tpu.enqueue_dma source(%arg7 : memref<64xf32, #tpu.memory_space<vmem>>) target(%dma_start3A_93 : memref<64xf32, #tpu.memory_space<hbm>>) target_semaphore(%run_scoped3A : memref<!tpu.dma_semaphore, #tpu.memory_space<semaphore_mem>>)
        %dma_wait3A = tpu.memref_slice %arg3[%mul3A_91] : memref<128xf32, #tpu.memory_space<hbm>> -> memref<64xf32, #tpu.memory_space<hbm>>
        %dma_wait3A_94 = tpu.memref_slice %arg3[%mul3A_91] : memref<128xf32, #tpu.memory_space<hbm>> -> memref<64xf32, #tpu.memory_space<hbm>>
        tpu.wait_dma2 semaphore(%run_scoped3A : memref<!tpu.dma_semaphore, #tpu.memory_space<semaphore_mem>>) src(%arg7 : memref<64xf32, #tpu.memory_space<vmem>>) dst(%dma_wait3A_94 : memref<64xf32, #tpu.memory_space<hbm>>)
        tpu.yield
      }) : () -> ()
    } else {
    }
    return
  }
}

</mosaic_0001>

<sc_bundles>
// kernel: kernel.3.cloned.1.call-start
scs
__scs_entry_jumppad:
0x0: {  	(pc) =	sbr.rel $0x88, $3  }
0x1: {  	(tag) =	ssettag $0x0;
	lr =	simm.s32 $0x1  }
0x2: {  	[smem:$0x3FA0] =	sst lr;
	_ =	strace $0xD0000000  }
0x3: {  	_ = 	snop  }
0x4: {  	_ = 	snop  }
0x5: {  	_ = 	snop  }
0x6: {  	_ = 	snop  }
0x7: {  	_ = 	snop  }
__scs_overlays_trampoline_lowered:
0x8: {  	[smem:$0x3FAF] =	sst s0  }
0x9: {  	[smem:$0x3FB0] =	sst s1  }
0xa: {  	[smem:$0x3FB1] =	sst s2  }
0xb: {  	[smem:$0x3FB2] =	sst s3  }
0xc: {  	[smem:$0x3FB3] =	sst s4  }
0xd: {  	[smem:$0x3FB4] =	sst s5  }
0xe: {  	[smem:$0x3FB5] =	sst s6  }
0xf: {  	[smem:$0x3FB6] =	sst s7  }
0x10: {  	[smem:$0x3FB7] =	sst s8  }
0x11: {  	[smem:$0x3FB8] =	sst s9;
	s0 =	simm.s32 @!p0 $0x0  }
0x12: {  	s1 =	sld [smem:$0x3F9E];
	s0 =	simm.s32 @p0 $0x1  }
0x13: {  	[smem:$0x3FB9] =	sst s0;
	s0 =	simm.s32 @!p1 $0x0  }
0x14: {  	s2 =	sld [smem:$0x3F9D];
	s0 =	simm.s32 @p1 $0x1  }
0x15: {  	[smem:$0x3FBA] =	sst s0;
	s0 =	simm.s32 @!p2 $0x0  }
0x16: {  	s3 =	sld [smem:$0x3FDB];
	s0 =	simm.s32 @p2 $0x1  }
0x17: {  	s4 =	simm.s32 $0x1BF5;
	[smem:$0x3FBC] =	sst s0  }
0x18: {  	s0 =	sld [smem:$0x3F9F];
	_ =	swait.ge [sflag:s4], $0x0  }
0x19: {  	s7 =	sld [smem:$0x3FA0]  }
0x1a: {  	s8 =	sadd.s32 $0xFFFFE003, lr  }
0x1b: {  	s9 =	sadd.s32 $0xFFFFFEF7, lr;
	s5 =	simm.s32 $0xFFFFFFFF;
	p2 =	slt.u32 s8, $0xFFFFF086  }
0x1c: {  	p1 =	slt.u32 s9, $0xF7A;
	s5 =	simm.s32 @!p2 $0x0  }
0x1d: {  	s5 =	simm.s32 @p1 $0x1;
	p0 =	seq.s32 s7, s2  }
0x1e: {  	s7 =	smul.u32 @!p0 $0xF7A, s2;
	p2 =	seq.s32 @!p0 s5, $0x0  }
0x1f: {  	s9 =	smul.u32 $0xF7A, s1;
	s8 =	simm.s32 @!p0 $0x1BF5;
	p2 =	por !p2, p0  }
0x20: {  	[sflag:s8] =	ssyncset.s32 @!p0 $0xFFFFF086;
	s6 =	sadd.s32 @!p0 s3, s7;
	s7 =	simm.s32 @!p0 $0x108  }
0x21: {  	s3 =	sadd.s32 s3, s9;
	s6 =	sadd.s32 @!p0 $0x88, s6;
	s7 =	simm.s32 @p2 $0x1082  }
0x22: {  	[simem:s7], [sflag:s8] =	dma.local @!p0 [hbm:s6], $0xF7A  }
0x23: {  	s9 =	sor.u32 $0xD0000000, s2;
	s6 =	simm.s32 $0x108;
	_ =	swait.ge @!p0 [sflag:s8], $0x0  }
0x24: {  	s3 =	sadd.s32 $0x88, s3;
	s6 =	simm.s32 @!p1 $0x1082;
	[sflag:s4] =	ssyncset.s32 $0xFFFFF086  }
0x25: {  	[simem:s6], [sflag:s4] =	dma.local [hbm:s3], $0xF7A  }
0x26: {  	[smem:$0x3FA0] =	sst s1;
	(tag) =	ssettag s2;
	_ =	strace s9  }
0x27: {  	s1 =	sld [smem:$0x3FB0]  }
0x28: {  	s2 =	sld [smem:$0x3FB1]  }
0x29: {  	s4 =	sld [smem:$0x3FB3]  }
0x2a: {  	p0 =	seq.s32 s5, $0x0;
	s5 =	sld [smem:$0x3FB4]  }
0x2b: {  	s6 =	sld [smem:$0x3FB5]  }
0x2c: {  	s7 =	sld [smem:$0x3FB6]  }
0x2d: {  	s3 =	simm.s32 $0x108;
	s8 =	sld [smem:$0x3FB7]  }
0x2e: {  	s3 =	simm.s32 @!p0 $0x1082;
	s9 =	sld [smem:$0x3FB8]  }
0x2f: {  	lr =	sadd.s32 s0, s3;
	s0 =	sld [smem:$0x3FAF]  }
0x30: {  	s3 =	sld [smem:$0x3FB2]  }
0x31: {  	[smem:$0x3FBB] =	sst s10  }
0x32: {  	s10 =	sld [smem:$0x3FB9];
	_ =	sdelay $0x3  }
0x33: {  	p0 =	seq.s32 s10, $0x1;
	s10 =	sld [smem:$0x3FBB];
	_ =	sdelay $0x3  }
0x34: {  	[smem:$0x3FBB] =	sst s10  }
0x35: {  	s10 =	sld [smem:$0x3FBA];
	_ =	sdelay $0x3  }
0x36: {  	p1 =	seq.s32 s10, $0x1;
	s10 =	sld [smem:$0x3FBB];
	_ =	sdelay $0x3  }
0x37: {  	[smem:$0x3FBB] =	sst s10  }
0x38: {  	s10 =	sld [smem:$0x3FBC]  }
0x39: {  	_ = 	snop;
	(pc) =	sbr.ind lr, $3  }
0x3a: {  	_ = 	snop  }
0x3b: {  	_ = 	snop  }
0x3c: {  	p2 =	seq.s32 s10, $0x1;
	s10 =	sld [smem:$0x3FBB]  }
0x3d: {  	_ =	shalt  }
0x3e: {  	_ =	shalt  }
0x3f: {  	_ =	shalt  }
0x40: {  	_ =	shalt  }
0x41: {  	_ =	shalt  }
0x42: {  	_ =	shalt  }
0x43: {  	_ =	shalt  }
0x44: {  	_ =	shalt  }
0x45: {  	_ =	shalt  }
0x46: {  	_ =	shalt  }
0x47: {  	_ =	shalt  }
0x48: {  	_ =	shalt  }
0x49: {  	_ =	shalt  }
0x4a: {  	_ =	shalt  }
0x4b: {  	_ =	shalt  }
0x4c: {  	_ =	shalt  }
0x4d: {  	_ =	shalt  }
0x4e: {  	_ =	shalt  }
0x4f: {  	_ =	shalt  }
0x50: {  	_ =	shalt  }
0x51: {  	_ =	shalt  }
0x52: {  	_ =	shalt  }
0x53: {  	_ =	shalt  }
0x54: {  	_ =	shalt  }
0x55: {  	_ =	shalt  }
0x56: {  	_ =	shalt  }
0x57: {  	_ =	shalt  }
0x58: {  	_ =	shalt  }
0x59: {  	_ =	shalt  }
0x5a: {  	_ =	shalt  }
0x5b: {  	_ =	shalt  }
0x5c: {  	_ =	shalt  }
0x5d: {  	_ =	shalt  }
0x5e: {  	_ =	shalt  }
0x5f: {  	_ =	shalt  }
0x60: {  	_ =	shalt  }
0x61: {  	_ =	shalt  }
0x62: {  	_ =	shalt  }
0x63: {  	_ =	shalt  }
0x64: {  	_ =	shalt  }
0x65: {  	_ =	shalt  }
0x66: {  	_ =	shalt  }
0x67: {  	_ =	shalt  }
0x68: {  	_ =	shalt  }
0x69: {  	_ =	shalt  }
0x6a: {  	_ =	shalt  }
0x6b: {  	_ =	shalt  }
0x6c: {  	_ =	shalt  }
0x6d: {  	_ =	shalt  }
0x6e: {  	_ =	shalt  }
0x6f: {  	_ =	shalt  }
0x70: {  	_ =	shalt  }
0x71: {  	_ =	shalt  }
0x72: {  	_ =	shalt  }
0x73: {  	_ =	shalt  }
0x74: {  	_ =	shalt  }
0x75: {  	_ =	shalt  }
0x76: {  	_ =	shalt  }
0x77: {  	_ =	shalt  }
0x78: {  	_ =	shalt  }
0x79: {  	_ =	shalt  }
0x7a: {  	_ =	shalt  }
0x7b: {  	_ =	shalt  }
0x7c: {  	_ =	shalt  }
0x7d: {  	_ =	shalt  }
0x7e: {  	_ =	shalt  }
0x7f: {  	_ =	shalt  }
0x80: {  	_ =	shalt  }
0x81: {  	_ =	shalt  }
0x82: {  	_ =	shalt  }
0x83: {  	_ =	shalt  }
0x84: {  	_ =	shalt  }
0x85: {  	_ =	shalt  }
0x86: {  	_ =	shalt  }
0x87: {  	_ =	shalt  }
.Lfunc_end0:
.L_simem_size_0:
called_computation_lowered:
.L_overlay_start_0:
0x88: {  	s2 =	sld [smem:$0x3FD9]  }
0x89: {  	s3 =	sld [smem:$0x3FFE];
	_ =	sdelay $0x1  }
0x8a: {  	s1 =	srdreg.scid  }
0x8b: {  	s0 =	sand.u32 $0x1, s1  }
0x8c: {  	s18 =	sshll.u32 s0, $0xA;
	s2 =	sadd.s32 s3, s2  }
0x8d: {  	s2 =	sadd.s32 s2, s18  }
0x8e: {  	[smem:$0x3FC7] =	sst s2  }
0x8f: {  	_ = 	snop  }
0x90: {  	s2 =	sld [smem:$0x3FC9]  }
0x91: {  	s19 =	sld [smem:$0x3FD0];
	(tm) =	ssettm $0x1  }
0x92: {  	s4 =	sld [smem:$0x3FFB];
	_ =	sdelay $0x3  }
0x93: {  	_ =	strace s4  }
0x94: {  	s4 =	sld [smem:$0x3FFC];
	_ =	sdelay $0x3  }
0x95: {  	_ =	strace s4  }
0x96: {  	s4 =	sld [smem:$0x3FFD];
	_ =	sdelay $0x3  }
0x97: {  	_ =	strace s4  }
0x98: {  	_ =	strace $0x8FFFFFFF  }
0x99: {  	s20 =	sld [smem:$0x3FDB];
	_ =	sdelay $0x1  }
0x9a: {  	s5 =	simm.s32 $_scs_section_size  }
0x9b: {  	s6 =	simm.s32 $_size__tile_overlayer_lowered;
	s7 =	simm.s32 $_tile_overlayer_lowered  }
0x9c: {  	s23 =	simm.s32 $0x1BFF;
	s22 =	sshll.u32 s7, $0x1;
	s4 =	sadd.s32 s5, s20  }
0x9d: {  	s8 =	simm.s32 $0x0;
	s21 =	sshll.u32 s6, $0x1;
	s6 =	sadd.s32 s22, s4  }
0x9e: {  	[timem:s8], [sflag:s23] =	dma.local [hbm:s6], s21  }
0x9f: {  	_ =	swait.ge [sflag:s23], s21  }
0xa0: {  	s5 =	ssub.s32 $0x0, s21;
	[sflag:s23] =	ssyncset.done $0x0  }
0xa1: {  	[sflag:s23] =	ssyncadd.s32 s5;
	_ =	sdelay $0x1  }
0xa2: {  	s24 =	simm.s32 $0x1B8B  }
0xa3: {  	_ =	swait.ge [sflag:s24], $0x1  }
0xa4: {  	[sflag:s24] =	ssyncset.done $0x0  }
0xa5: {  	s25 =	simm.s32 $0x1B8E;
	[sflag:s24] =	ssyncadd.s32 $0xFFFFFFFF  }
0xa6: {  	s26 =	simm.s32 $execute0_lowered;
	[smem:$0x3FD2] =	sst s25  }
0xa7: {  	s5 =	sshll.u32 s26, $0x1;
	_ =	strace $0x80000046;
	[dreg:$0x1] =	wrdreg $0xFFFFFFFF  }
0xa8: {  	s28 =	simm.s32 $_size_execute0_lowered;
	s4 =	sadd.s32 s4, s5;
	[dreg:$0x0] =	wrdreg $0x0  }
0xa9: {  	s5 =	sshll.u32 s28, $0x1;
	[dreg:$0x2] =	wrdreg s4  }
0xaa: {  	[dreg:$0x3] =	wrdreg s5  }
0xab: {  	[dreg:$0x4] =	wrdreg $0xC0  }
0xac: {  	_ =	task [dreg:s8], $0x5FFFF  }
0xad: {  	[dreg:$0x1] =	wrdreg $0xFFFFFFFF  }
0xae: {  	[dreg:$0x0] =	wrdreg $0x60  }
0xaf: {  	[dreg:$0x2] =	wrdreg s2  }
0xb0: {  	[dreg:$0x3] =	wrdreg s19  }
0xb1: {  	[dreg:$0x4] =	wrdreg $0x89000  }
0xb2: {  	[dreg:$0x5] =	wrdreg $0x9  }
0xb3: {  	_ =	task.clear_ibuf [dreg:s8], $0x6FFFF;
	_ =	strace $0x90000046  }
0xb4: {  	s29 =	simm.s32 $0x9;
	_ =	strace $0x80000048  }
0xb5: {  	_ =	swait.ge [sflag:s29], $0x1  }
0xb6: {  	[sflag:s29] =	ssyncadd.s32 $0xFFFFFFFF  }
0xb7: {  	_ =	strace $0x90000048  }
0xb8: {  	_ =	sfence  }
0xb9: {  	s30 =	sld [smem:$0x0];
	_ =	sdelay $0x2  }
0xba: {  	s31 =	sshll.u32 s1, $0xD;
	s1 =	sshrl.u32 s1, $0x2  }
0xbb: {  	s3 =	sand.u32 $0x4000, s31;
	s1 =	sadd.s32 s1, s30  }
0xbc: {  	s0 =	sor.u32 s3, s0;
	s1 =	sshll.u32 s1, $0x11  }
0xbd: {  	s0 =	sor.u32 s1, s0  }
0xbe: {  	s0 =	sadd.s32 $0x8F2B, s0  }
0xbf: {  	[sflag:s0] =	ssyncadd.remote.s32 $0x1  }
0xc0: {  	_ =	sfence.sel $0xFFFF  }
0xc1: {  	[dreg:$0x0] =	wrdreg $0xFFFFFFFF;
	(pc) =	sbr.abs _section_cstart, $3  }
0xc2: {  	[dreg:$0x1] =	wrdreg $0xFFFFFFFF  }
0xc3: {  	_ =	task.clear_ibuf [dreg:s8], $0x2FFFF;
	_ =	strace $0x9FFFFFFF  }
0xc4: {  	(tm) =	ssettm $0x7FFFFFFF  }
0xc5: {  	_ =	shalt  }
tec
execute0_lowered:
.L_overlay_start_1:
0x0: {  	(tag) =	ssettag $0x1  }
0x1: {  	v0 =	vimm.s32 $0x3210  }
0x2: {  	v1 =	vimm.s32 $0x83828180;
	vm0 =	vcmask $0xF00;
	vm11 =	vcmask $0x1F10  }
0x3: {  	vm6 =	vcmask $0x2320;
	vm5 =	vcmask $0x2724;
	vm4 =	vcmask $0x2B28  }
0x4: {  	vm3 =	vcmask $0x2F2C;
	vm2 =	vcmask $0x3330;
	vm12 =	vcmask $0x3734  }
0x5: {  	v2 =	vimm.s32 $0x383;
	vm7 =	vcmask $0x300;
	vm8 =	vcmask $0x704  }
0x6: {  	vm1 =	vcmask $0x3B38;
	vm9 =	vcmask $0xB08;
	vm10 =	vcmask $0xF0C  }
0x7: {  	v3 =	vimm.s32 $0x583;
	v4 =	vimm.s32 $0x783;
	vm13 =	vcmask $0x1714  }
0x8: {  	vm14 =	vcmask $0x1B18;
	vm15 =	vcmask $0x1F1C;
	v7 =	vimm.f32 $0.0e+00  }
0x9: {  	v0 =	vunpack.c.l.s4.s8 v0;
	v1 =	vunpack.c.0.s8.s32 v1;
	v2 =	vsel vm7, $0x200, v2  }
0xa: {  	v3 =	vsel vm7, $0x400, v3;
	v4 =	vsel vm7, $0x600, v4;
	v2 =	vsel vm8, $0x201, v2  }
0xb: {  	v3 =	vsel vm8, $0x401, v3;
	v4 =	vsel vm8, $0x601, v4;
	v0 =	vunpack.c.0.s8.s32 v0  }
0xc: {  	v1 =	vand.u32 $0xFF, v1;
	v2 =	vsel vm9, $0x202, v2;
	v3 =	vsel vm9, $0x402, v3  }
0xd: {  	v4 =	vsel vm9, $0x602, v4;
	v2 =	vsel vm10, $0x203, v2;
	v0 =	vnsel vm0, $0x183, v0  }
0xe: {  	v3 =	vsel vm10, $0x403, v3;
	v0 =	vsel vm11, v1, v0;
	vm11 =	vcmask $0x1310  }
0xf: {  	s2 =	rddreg [dreg:$0x0];
	v4 =	vsel vm10, $0x603, v4;
	v0 =	vsel vm6, $0x100, v0;
	v2 =	vsel vm11, $0x280, v2  }
0x10: {  	s0 =	srdreg.scid;
	s8 =	rddreg [dreg:$0x1];
	v3 =	vsel vm11, $0x480, v3;
	v4 =	vsel vm11, $0x680, v4;
	v0 =	vsel vm5, $0x101, v0  }
0x11: {  	s11 =	stileid.u32;
	s6 =	rddreg [dreg:$0x2];
	v2 =	vsel vm13, $0x281, v2;
	v3 =	vsel vm13, $0x481, v3;
	v4 =	vsel vm13, $0x681, v4  }
0x12: {  	s12 =	simm.s32 $0x2;
	s13 =	simm.s32 $0x8080;
	s14 =	simm.s32 $0x8880;
	v0 =	vsel vm4, $0x102, v0;
	v2 =	vsel vm14, $0x282, v2;
	v3 =	vsel vm14, $0x482, v3  }
0x13: {  	s15 =	simm.s32 $0x0;
	s9 =	sand.u32 $0x1, s0;
	s30 =	sshll.u32 s11, $0xF;
	v4 =	vsel vm14, $0x682, v4;
	v1 =	vsel vm3, $0x103, v0;
	v0 =	vlaneseq.u32  }
0x14: {  	s5 =	sshll.u32 s11, $0x9;
	p0 =	sne.s32 s11, $0x0;
	s11 =	simm.s32 $0x8000;
	v2 =	vsel vm15, $0x283, v2;
	v3 =	vsel vm15, $0x483, v3;
	v4 =	vsel vm15, $0x683, v4  }
0x15: {  	s1 =	sshll.u32 s9, $0x13;
	s0 =	sand.u32 $0x70000, s30;
	s3 =	sand.u32 $0x200, s5;
	v1 =	vsel vm2, $0x180, v1;
	v2 =	vsel vm6, $0x300, v2;
	v3 =	vsel vm6, $0x500, v3  }
0x16: {  	s4 =	ssub.s32 $0x2, s9;
	s31 =	sshrl.u32 s5, $0x2;
	s5 =	sadd.s32 $0x800, s6;
	v4 =	vsel vm6, $0x700, v4;
	v1 =	vsel vm12, $0x181, v1;
	v2 =	vsel vm5, $0x301, v2  }
0x17: {  	s9 =	sshll.u32 s9, $0x3;
	s1 =	sor.u32 s1, s0;
	s0 =	rddreg [dreg:$0x3];
	v3 =	vsel vm5, $0x501, v3;
	v4 =	vsel vm5, $0x701, v4;
	v1 =	vsel vm1, $0x182, v1  }
0x18: {  	s7 =	sshrl.u32 s4, $0x1;
	s8 =	sadd.s32 s8, s9;
	s3 =	sor.u32 s3, s1;
	v2 =	vsel vm4, $0x302, v2;
	v3 =	vsel vm4, $0x502, v3;
	v4 =	vsel vm4, $0x702, v4  }
0x19: {  	s1 =	simm.s32 $0x0;
	s10 =	ssub.s32 s4, s7;
	s7 =	sadd.s32 s31, s5;
	v2 =	vsel vm3, $0x303, v2;
	v3 =	vsel vm3, $0x503, v3;
	v4 =	vsel vm3, $0x703, v4  }
0x1a: {  	s3 =	sshrl.u32 s3, $0x3;
	[smem:$0x7FF] =	sst s1;
	s9 =	smax.u32 s10, $0x1;
	v2 =	vsel vm2, $0x380, v2;
	v3 =	vsel vm2, $0x580, v3;
	v4 =	vsel vm2, $0x780, v4  }
0x1b: {  	s10 =	simm.s32 $0x1;
	s2 =	sadd.s32 s2, s3;
	_ =	strace $0x80000047;
	v2 =	vsel vm12, $0x381, v2;
	v3 =	vsel vm12, $0x581, v3;
	v4 =	vsel vm12, $0x781, v4  }
0x1c: {  	s3 =	sadd.s32 $0x10, s2;
	s4 =	sadd.s32 $0x20, s2;
	s6 =	sadd.s32 $0x30, s2;
	v2 =	vsel vm1, $0x382, v2;
	v3 =	vsel vm1, $0x582, v3;
	v4 =	vsel vm1, $0x782, v4  }
.LBB2_1:
0x1d: {  	s16 =	simm.s32 $0x80  }
0x1e: {  	s19 =	sadd.s32 $0x0, s2;
	s17 =	simm.s32 $0x200;
	s18 =	simm.s32 $0x0  }
.LBB2_2:
0x1f: {  	[tilespmem:s18], [sflag:$0x1] =	stream.linear.gather [hbm4b:s19+s1], $0x80, $0x38;
	[tilespmem:$0x8920] =	vst v63  }
0x20: {  	s19 =	smov.u32 s16;
	s18 =	smov.u32 s17;
	p1 =	sne.s32 s16, $0x1F80  }
.Ltmp0:
0x21: {  	s16 =	sadd.s32 $0x80, s16;
	(pc) =	sbr.rel @p1 .LBB2_2-.Ltmp0, $2  }
0x22: {  	_ =	sdelay $0x2  }
0x23: {  	s17 =	sadd.s32 $0x200, s17;
	s19 =	sadd.s32 s19, s2  }
0x24: {  	[tilespmem:s18], [sflag:$0x1] =	stream.linear.gather [hbm4b:s19+s1], $0x80, $0x38;
	[tilespmem:$0x8920] =	vst v63  }
0x25: {  	s16 =	simm.s32 $0x80  }
0x26: {  	s17 =	simm.s32 $0x80;
	s19 =	sadd.s32 $0x0, s3;
	s18 =	simm.s32 $0x280  }
.LBB2_4:
0x27: {  	[tilespmem:s16], [sflag:$0x1] =	stream.linear.gather [hbm4b:s19+s1], $0x80, $0x38;
	[tilespmem:$0x8920] =	vst v63  }
0x28: {  	s19 =	smov.u32 s17;
	s16 =	smov.u32 s18;
	p1 =	sne.s32 s17, $0x1F80  }
.Ltmp1:
0x29: {  	s17 =	sadd.s32 $0x80, s17;
	(pc) =	sbr.rel @p1 .LBB2_4-.Ltmp1, $2  }
0x2a: {  	_ =	sdelay $0x2  }
0x2b: {  	s18 =	sadd.s32 $0x200, s18;
	s19 =	sadd.s32 s19, s3  }
0x2c: {  	[tilespmem:s16], [sflag:$0x1] =	stream.linear.gather [hbm4b:s19+s1], $0x80, $0x38;
	[tilespmem:$0x8920] =	vst v63  }
0x2d: {  	s16 =	simm.s32 $0x100  }
0x2e: {  	s17 =	simm.s32 $0x80;
	s19 =	sadd.s32 $0x0, s4;
	s18 =	simm.s32 $0x300  }
.LBB2_6:
0x2f: {  	[tilespmem:s16], [sflag:$0x1] =	stream.linear.gather [hbm4b:s19+s1], $0x80, $0x38;
	[tilespmem:$0x8920] =	vst v63  }
0x30: {  	s19 =	smov.u32 s17;
	s16 =	smov.u32 s18;
	p1 =	sne.s32 s17, $0x1F80  }
.Ltmp2:
0x31: {  	s17 =	sadd.s32 $0x80, s17;
	(pc) =	sbr.rel @p1 .LBB2_6-.Ltmp2, $2  }
0x32: {  	_ =	sdelay $0x2  }
0x33: {  	s18 =	sadd.s32 $0x200, s18;
	s19 =	sadd.s32 s19, s4  }
0x34: {  	[tilespmem:s16], [sflag:$0x1] =	stream.linear.gather [hbm4b:s19+s1], $0x80, $0x38;
	[tilespmem:$0x8920] =	vst v63  }
0x35: {  	s16 =	simm.s32 $0x0;
	s17 =	simm.s32 $0x180;
	s18 =	simm.s32 $0x0  }
.LBB2_8:
0x36: {  	p1 =	sne.s32 s18, $0x1F80  }
.Ltmp3:
0x37: {  	_ = 	snop;
	(pc) =	sbr.rel @p1 .LBB2_8-.Ltmp3, $4  }
0x38: {  	_ = 	snop  }
0x39: {  	s19 =	sadd.s32 s18, s6  }
0x3a: {  	[tilespmem:s17], [sflag:$0x1] =	stream.linear.gather [hbm4b:s19+s16], $0x80, $0x38;
	[tilespmem:$0x8920] =	vst v63  }
0x3b: {  	s18 =	sadd.s32 $0x80, s18;
	s17 =	sadd.s32 $0x200, s17  }
0x3c: {  	v5 =	vimm.f32 $1.000000000e+00;
	s17 =	simm.s32 $0x400;
	v6 =	vimm.f32 $0.0e+00  }
.LBB2_10:
0x3d: {  	_ =	swait.ge [sflag:s10], $0x2000  }
0x3e: {  	[sflag:s10] =	ssyncset.done $0x0  }
0x3f: {  	[sflag:s10] =	ssyncadd.s32 $0xFFFFE000  }
0x40: {  	v8 =	vld [tilespmem:s17+$0xFFFFFC10]  }
0x41: {  	v9 =	vld [tilespmem:s17+$0x70]  }
0x42: {  	v10 =	vld [tilespmem:s17+$0x200]  }
0x43: {  	v11 =	vld [tilespmem:s17+$0x220]  }
0x44: {  	v12 =	vld [tilespmem:s17+$0x10]  }
0x45: {  	v13 =	vld [tilespmem:s17+$0x210]  }
0x46: {  	v14 =	vld [tilespmem:s17+$0xFFFFFE20]  }
0x47: {  	v15 =	vld [tilespmem:s17+$0xFFFFFE10]  }
0x48: {  	v16 =	vld [tilespmem:s17+$0x20]  }
0x49: {  	v17 =	vld [tilespmem:s17+$0x250]  }
0x4a: {  	v18 =	vld [tilespmem:s17+$0xFFFFFC20];
	v8 =	vmul.f32 $1.442695020e+00, v8;
	v11 =	vmul.f32 $1.442695020e+00, v11  }
0x4b: {  	v19 =	vld [tilespmem:s17+$0xFFFFFE70];
	v13 =	vmul.f32 $1.442695020e+00, v13;
	v14 =	vmul.f32 $1.442695020e+00, v14  }
0x4c: {  	v27 =	vld [tilespmem:s17+$0xFFFFFE30];
	(erf) = vpow2.f32 v8;
	v8 =	vmul.f32 $1.442695020e+00, v12  }
0x4d: {  	v9 =	vmul.f32 $1.442695020e+00, v9;
	v12 =	vld [tilespmem:s17+$0x270];
	(erf) = vpow2.f32 v11  }
0x4e: {  	v11 =	vld [tilespmem:s17+$0x50];
	(erf) = vpow2.f32 v8;
	v8 =	vmul.f32 $1.442695020e+00, v15  }
0x4f: {  	v15 =	vmul.f32 $1.442695020e+00, v16;
	v16 =	vld [tilespmem:s17+$0xFFFFFE60];
	(erf) = vpow2.f32 v13  }
0x50: {  	v19 =	vmul.f32 $1.442695020e+00, v19;
	v13 =	vld [tilespmem:s17+$0xFFFFFE50];
	(erf) = vpow2.f32 v14  }
0x51: {  	v17 =	vmul.f32 $1.442695020e+00, v17;
	v14 =	vld [tilespmem:s17+$0xFFFFFC50];
	(erf) = vpow2.f32 v8  }
0x52: {  	v27 =	vmul.f32 $1.442695020e+00, v27;
	v8 =	vmul.f32 $1.442695020e+00, v10;
	v10 =	vld [tilespmem:s17+$0xFFFFFC00]  }
0x53: {  	v22 =	vld [tilespmem:s17+$0xFFFFFC70];
	v32 =	vmul.f32 $1.442695020e+00, v12;
	(erf) = vpow2.f32 v15  }
0x54: {  	v20 =	vld [tilespmem:s17+$0xFFFFFC30];
	v15 =	vmul.f32 $1.442695020e+00, v18;
	v11 =	vmul.f32 $1.442695020e+00, v11  }
0x55: {  	v12 =	vld [tilespmem:s17+$0x30];
	v16 =	vmul.f32 $1.442695020e+00, v16;
	v13 =	vmul.f32 $1.442695020e+00, v13;
	v21 =	vpop (erf)  }
0x56: {  	v18 =	vld [tilespmem:s17+$0xFFFFFC40];
	v14 =	vmul.f32 $1.442695020e+00, v14;
	v23 =	vpop (erf);
	(erf) = vpow2.f32 v15  }
0x57: {  	v25 =	vld [tilespmem:s17+$0xFFFFFC60];
	v10 =	vmul.f32 $1.442695020e+00, v10;
	v24 =	vpop (erf);
	(erf) = vpow2.f32 v9  }
0x58: {  	v15 =	vld [tilespmem:s17+$0x0];
	v26 =	vpop (erf);
	(erf) = vpow2.f32 v11;
	v11 =	vmul.f32 $1.442695020e+00, v22  }
0x59: {  	v28 =	vadd.f32 v21, v7;
	v9 =	vmul.f32 $1.442695020e+00, v20;
	v20 =	vld [tilespmem:s17+$0xFFFFFE00];
	v29 =	vpop (erf);
	(erf) = vpow2.f32 v14  }
0x5a: {  	v33 =	vmul.f32 $1.442695020e+00, v12;
	v14 =	vmax.f32 v7, v21;
	v21 =	vld [tilespmem:s17+$0x230];
	v30 =	vpop (erf);
	(erf) = vpow2.f32 v11  }
0x5b: {  	v18 =	vmul.f32 $1.442695020e+00, v18;
	v22 =	vld [tilespmem:s17+$0xFFFFFE40];
	v28 =	vadd.f32 v30, v28;
	(erf) = vpow2.f32 v13  }
0x5c: {  	v11 =	vmul.f32 $1.442695020e+00, v25;
	v13 =	vpop (erf);
	(erf) = vpow2.f32 v9  }
0x5d: {  	v25 =	vld [tilespmem:s17+$0x40];
	v35 =	vmul.f32 $1.442695020e+00, v15;
	(erf) = vpow2.f32 v10  }
0x5e: {  	v31 =	vld [tilespmem:s17+$0x240];
	v14 =	vmax.f32 v14, v30;
	v20 =	vmul.f32 $1.442695020e+00, v20;
	(erf) = vpow2.f32 v27  }
0x5f: {  	v34 =	vld [tilespmem:s17+$0x60];
	v15 =	vadd.f32 v24, v28;
	v21 =	vmul.f32 $1.442695020e+00, v21;
	v28 =	vpop (erf);
	(erf) = vpow2.f32 v18  }
0x60: {  	v12 =	vmax.f32 v14, v24;
	v22 =	vmul.f32 $1.442695020e+00, v22;
	v10 =	vpop (erf);
	(erf) = vpow2.f32 v33  }
0x61: {  	v12 =	vmax.f32 v12, v26;
	v15 =	vadd.f32 v26, v15;
	(erf) = vpow2.f32 v21  }
0x62: {  	v30 =	vmul.f32 $1.442695020e+00, v25;
	v9 =	vmax.f32 v7, v28;
	(erf) = vpow2.f32 v17  }
0x63: {  	v27 =	vadd.f32 v28, v7;
	v33 =	vmul.f32 $1.442695020e+00, v31;
	v28 =	vpop (erf);
	(erf) = vpow2.f32 v19  }
0x64: {  	v31 =	vmul.f32 $1.442695020e+00, v34;
	v9 =	vmax.f32 v9, v29;
	v18 =	vpop (erf);
	(erf) = vpow2.f32 v32  }
0x65: {  	v14 =	vadd.f32 v29, v27;
	v9 =	vmax.f32 v9, v13;
	v26 =	vpop (erf);
	(erf) = vpow2.f32 v16  }
0x66: {  	v17 =	vadd.f32 v18, v7;
	v18 =	vmax.f32 v7, v18;
	v19 =	vpop (erf);
	(erf) = vpow2.f32 v20  }
0x67: {  	v9 =	vmax.f32 v9, v23;
	v14 =	vadd.f32 v13, v14;
	v32 =	vpop (erf);
	(erf) = vpow2.f32 v11  }
0x68: {  	v21 =	vadd.f32 v19, v17;
	v17 =	vimm.f32 $0.0e+00;
	v16 =	vpop (erf);
	(erf) = vpow2.f32 v35;
	v35 =	vld [tilespmem:s17+$0x260]  }
0x69: {  	v13 =	vadd.f32 v23, v14;
	v14 =	vmax.f32 v18, v19;
	v29 =	vadd.f32 v32, v7  }
0x6a: {  	v20 =	vimm.f32 $0.0e+00;
	v23 =	vimm.f32 $0.0e+00;
	v18 =	vimm.f32 $0.0e+00  }
0x6b: {  	v19 =	vmax.f32 v14, v28;
	v34 =	vadd.f32 v16, v7;
	v24 =	vmax.f32 v7, v16;
	v27 =	vpop (erf)  }
0x6c: {  	s18 =	simm.s32 $0x0;
	s19 =	sadd.s32 $0x800, s17;
	v11 =	vimm.f32 $0.0e+00;
	v14 =	vimm.f32 $0.0e+00;
	v16 =	vimm.f32 $0.0e+00;
	v25 =	vpop (erf)  }
.LBB2_11:
0x6d: {  	v36 =	vld [tilespmem:s19+$0xFFFFFC10];
	s18 =	sadd.s32 $0x200, s18;
	v11 =	vmax.f32 v11, v32;
	v32 =	vmul.f32 $1.442695020e+00, v35;
	v35 =	vpop (erf);
	(erf) = vpow2.f32 v33  }
0x6e: {  	v17 =	vmax.f32 v17, v26;
	v33 =	vld [tilespmem:s19+$0x70];
	p1 =	slt.u32 s18, $0x1E00;
	v11 =	vmax.f32 v11, v27;
	(erf) = vpow2.f32 v8;
	v37 =	vpop (erf)  }
0x6f: {  	v8 =	vld [tilespmem:s19+$0x200];
	v11 =	vmax.f32 v11, v35;
	(erf) = vpow2.f32 v31;
	v31 =	vpop (erf)  }
0x70: {  	v21 =	vadd.f32 v28, v21;
	v38 =	vld [tilespmem:s19+$0x220];
	v11 =	vmax.f32 v11, v37;
	v39 =	vpop (erf);
	(erf) = vpow2.f32 v32  }
0x71: {  	v19 =	vmax.f32 v19, v31;
	v32 =	vld [tilespmem:s19+$0x10];
	v17 =	vmax.f32 v17, v39;
	(erf) = vpow2.f32 v30;
	v28 =	vpop (erf)  }
0x72: {  	v21 =	vadd.f32 v31, v21;
	v30 =	vmul.f32 $1.442695020e+00, v36;
	v36 =	vld [tilespmem:s19+$0x210];
	v17 =	vmax.f32 v17, v10;
	v31 =	vpop (erf)  }
0x73: {  	v20 =	vadd.f32 v25, v20;
	v23 =	vadd.f32 v26, v23;
	v40 =	vld [tilespmem:s19+$0xFFFFFE20];
	v26 =	vpop (erf);
	(erf) = vpow2.f32 v22  }
0x74: {  	v22 =	vld [tilespmem:s19+$0xFFFFFE10];
	v8 =	vmul.f32 $1.442695020e+00, v8;
	(erf) = vpow2.f32 v30;
	v30 =	vadd.f32 v26, v34;
	v34 =	vpop (erf)  }
0x75: {  	v24 =	vmax.f32 v24, v26;
	v41 =	vld [tilespmem:s19+$0x20];
	v45 =	vmul.f32 $1.442695020e+00, v38;
	v14 =	vmax.f32 v14, v34;
	v42 =	vpop (erf)  }
0x76: {  	v46 =	vmul.f32 $1.442695020e+00, v32;
	v43 =	vld [tilespmem:s19+$0x250];
	v14 =	vmax.f32 v14, v31;
	v30 =	vadd.f32 v42, v30;
	v44 =	vpop (erf)  }
0x77: {  	v24 =	vmax.f32 v24, v42;
	v36 =	vmul.f32 $1.442695020e+00, v36;
	v26 =	vld [tilespmem:s19+$0x240];
	(erf) = vpow2.f32 v45;
	v38 =	vpop (erf)  }
0x78: {  	v42 =	vld [tilespmem:s19+$0xFFFFFC20];
	v40 =	vmul.f32 $1.442695020e+00, v40;
	(erf) = vpow2.f32 v46;
	v24 =	vmax.f32 v24, v38;
	v32 =	vpop (erf)  }
0x79: {  	v27 =	vadd.f32 v27, v29;
	v22 =	vmul.f32 $1.442695020e+00, v22;
	v45 =	vld [tilespmem:s19+$0x270];
	(erf) = vpow2.f32 v36;
	v29 =	vpop (erf)  }
0x7a: {  	v23 =	vadd.f32 v39, v23;
	v46 =	vmul.f32 $1.442695020e+00, v41;
	v41 =	vld [tilespmem:s19+$0x50];
	(erf) = vpow2.f32 v40;
	v39 =	vpop (erf)  }
0x7b: {  	v17 =	vmax.f32 v17, v28;
	v18 =	vadd.f32 v34, v18;
	v40 =	vld [tilespmem:s19+$0xFFFFFE70];
	(erf) = vpow2.f32 v22  }
0x7c: {  	v16 =	vmax.f32 v16, v25;
	v14 =	vmax.f32 v14, v32;
	v22 =	vld [tilespmem:s19+$0xFFFFFE50];
	(erf) = vpow2.f32 v46;
	v25 =	vpop (erf)  }
0x7d: {  	v14 =	vmax.f32 v14, v29;
	v34 =	vld [tilespmem:s19+$0xFFFFFC50];
	v36 =	vpop (erf);
	v20 =	vadd.f32 v25, v20;
	v16 =	vmax.f32 v16, v25  }
0x7e: {  	v27 =	vadd.f32 v35, v27;
	v46 =	vmul.f32 $1.442695020e+00, v42;
	v15 =	vadd.f32 v36, v15;
	v42 =	vld [tilespmem:s19+$0xFFFFFE60]  }
0x7f: {  	v33 =	vmul.f32 $1.442695020e+00, v33;
	v10 =	vadd.f32 v10, v23;
	v38 =	vadd.f32 v38, v30;
	v35 =	vld [tilespmem:s19+$0xFFFFFC00]  }
0x80: {  	v12 =	vmax.f32 v12, v36;
	v30 =	vmul.f32 $1.442695020e+00, v41;
	v23 =	vld [tilespmem:s19+$0xFFFFFC40];
	v36 =	vmul.f32 $1.442695020e+00, v40;
	v40 =	vpop (erf)  }
0x81: {  	v43 =	vmul.f32 $1.442695020e+00, v43;
	v20 =	vadd.f32 v39, v20;
	v41 =	vld [tilespmem:s19+$0xFFFFFC30];
	(erf) = vpow2.f32 v46;
	v25 =	vpop (erf)  }
0x82: {  	v16 =	vmax.f32 v16, v39;
	v22 =	vmul.f32 $1.442695020e+00, v22;
	v34 =	vmul.f32 $1.442695020e+00, v34;
	v46 =	vld [tilespmem:s19+$0xFFFFFC70];
	v47 =	vpop (erf)  }
0x83: {  	v27 =	vadd.f32 v37, v27;
	v18 =	vadd.f32 v31, v18;
	v39 =	vmul.f32 $1.442695020e+00, v42;
	v42 =	vld [tilespmem:s19+$0x0];
	v48 =	vpop (erf)  }
0x84: {  	v16 =	vmax.f32 v16, v44;
	v20 =	vadd.f32 v44, v20;
	v31 =	vmul.f32 $1.442695020e+00, v35;
	v35 =	vld [tilespmem:s19+$0xFFFFFC60];
	v37 =	vpop (erf)  }
0x85: {  	v18 =	vadd.f32 v32, v18;
	v44 =	vmul.f32 $1.442695020e+00, v23;
	v49 =	vld [tilespmem:s19+$0xFFFFFE30];
	v50 =	vpop (erf);
	(erf) = vpow2.f32 v33  }
0x86: {  	v15 =	vadd.f32 v37, v15;
	v32 =	vmul.f32 $1.442695020e+00, v41;
	v33 =	vld [tilespmem:s19+$0xFFFFFE00];
	(erf) = vpow2.f32 v30  }
0x87: {  	v18 =	vadd.f32 v29, v18;
	v45 =	vmul.f32 $1.442695020e+00, v45;
	v30 =	vmul.f32 $1.442695020e+00, v46;
	v41 =	vld [tilespmem:s19+$0xFFFFFE40]  }
0x88: {  	v23 =	vadd.f32 v28, v10;
	v42 =	vmul.f32 $1.442695020e+00, v42;
	v29 =	vld [tilespmem:s19+$0x30];
	(erf) = vpow2.f32 v34  }
0x89: {  	v10 =	vadd.f32 v25, v15;
	v34 =	vmul.f32 $1.442695020e+00, v35;
	v28 =	vld [tilespmem:s19+$0x230];
	(erf) = vpow2.f32 v30  }
0x8a: {  	v12 =	vmax.f32 v12, v37;
	v30 =	vmul.f32 $1.442695020e+00, v49;
	v35 =	vld [tilespmem:s19+$0x40];
	v37 =	vpop (erf);
	(erf) = vpow2.f32 v22  }
0x8b: {  	v15 =	vadd.f32 v47, v10;
	v46 =	vmul.f32 $1.442695020e+00, v33;
	(erf) = vpow2.f32 v32  }
0x8c: {  	v9 =	vmax.f32 v9, v37;
	v22 =	vmul.f32 $1.442695020e+00, v41;
	v32 =	vld [tilespmem:s19+$0x60];
	(erf) = vpow2.f32 v31  }
0x8d: {  	v12 =	vmax.f32 v12, v25;
	v29 =	vmul.f32 $1.442695020e+00, v29;
	(erf) = vpow2.f32 v30  }
0x8e: {  	v13 =	vadd.f32 v37, v13;
	v37 =	vmul.f32 $1.442695020e+00, v28;
	(erf) = vpow2.f32 v44;
	v10 =	vpop (erf)  }
0x8f: {  	v12 =	vmax.f32 v12, v47;
	v30 =	vmul.f32 $1.442695020e+00, v35;
	(erf) = vpow2.f32 v29;
	v28 =	vpop (erf)  }
0x90: {  	v33 =	vmul.f32 $1.442695020e+00, v26;
	v13 =	vadd.f32 v48, v13;
	(erf) = vpow2.f32 v37  }
0x91: {  	v9 =	vmax.f32 v9, v48;
	v31 =	vmul.f32 $1.442695020e+00, v32;
	v25 =	vpop (erf);
	(erf) = vpow2.f32 v43  }
0x92: {  	v13 =	vadd.f32 v50, v13;
	v21 =	vadd.f32 v25, v21;
	v26 =	vpop (erf);
	(erf) = vpow2.f32 v36  }
.Ltmp4:
0x93: {  	v9 =	vmax.f32 v9, v50;
	v19 =	vmax.f32 v19, v25;
	v35 =	vld [tilespmem:s19+$0x260];
	v25 =	vpop (erf);
	(erf) = vpow2.f32 v45;
	(pc) =	sbr.rel @p1 .LBB2_11-.Ltmp4, $4  }
0x94: {  	v13 =	vadd.f32 v40, v13;
	v21 =	vadd.f32 v25, v21;
	v32 =	vpop (erf);
	(erf) = vpow2.f32 v39  }
0x95: {  	v9 =	vmax.f32 v9, v40;
	v19 =	vmax.f32 v19, v25;
	v25 =	vpop (erf);
	(erf) = vpow2.f32 v46  }
0x96: {  	v29 =	vadd.f32 v32, v27;
	v19 =	vmax.f32 v19, v28;
	(erf) = vpow2.f32 v34;
	v27 =	vpop (erf)  }
0x97: {  	s19 =	sadd.s32 $0x800, s19;
	v34 =	vadd.f32 v25, v38;
	v24 =	vmax.f32 v24, v25;
	v25 =	vpop (erf);
	(erf) = vpow2.f32 v42  }
0x98: {  	v36 =	vpop (erf);
	(erf) = vpow2.f32 v33  }
0x99: {  	v61 =	vmul.f32 $1.442695020e+00, v35;
	(erf) = vpow2.f32 v8;
	v8 =	vpop (erf)  }
0x9a: {  	(erf) = vpow2.f32 v31;
	v62 =	vpop (erf)  }
0x9b: {  	v63 =	vpop (erf);
	(erf) = vpow2.f32 v61  }
0x9c: {  	(erf) = vpow2.f32 v30;
	v45 =	vpop (erf)  }
0x9d: {  	v46 =	vpop (erf);
	(erf) = vpow2.f32 v22  }
0x9e: {  	v47 =	vpop (erf)  }
0x9f: {  	v37 =	vpop (erf)  }
0xa0: {  	v38 =	vpop (erf)  }
0xa1: {  	v34 =	vadd.f32 v47, v34;
	v39 =	vpop (erf)  }
0xa2: {  	v40 =	vpop (erf)  }
0xa3: {  	v34 =	vadd.f32 v38, v34;
	v41 =	vpop (erf)  }
0xa4: {  	v20 =	vadd.f32 v25, v20;
	v29 =	vadd.f32 v27, v29;
	v42 =	vpop (erf)  }
0xa5: {  	v21 =	vadd.f32 v28, v21;
	v34 =	vadd.f32 v40, v34;
	v43 =	vpop (erf)  }
0xa6: {  	v51 =	vadd.f32 v26, v23;
	v29 =	vadd.f32 v36, v29;
	v48 =	vpop (erf)  }
0xa7: {  	v15 =	vadd.f32 v15, v34;
	v20 =	vadd.f32 v48, v20  }
0xa8: {  	v50 =	vadd.f32 v8, v29;
	v18 =	vadd.f32 v37, v18  }
0xa9: {  	v11 =	vmax.f32 v11, v32;
	v13 =	vadd.f32 v13, v15;
	v49 =	vadd.f32 v43, v20  }
0xaa: {  	v17 =	vmax.f32 v17, v26;
	v16 =	vmax.f32 v16, v25;
	v18 =	vadd.f32 v46, v18  }
0xab: {  	v11 =	vmax.f32 v11, v27;
	v13 =	vadd.f32 v50, v13;
	v15 =	vadd.f32 v39, v49  }
0xac: {  	v11 =	vmax.f32 v11, v36;
	v52 =	vadd.f32 v62, v21;
	v18 =	vadd.f32 v41, v18  }
0xad: {  	v54 =	vmax.f32 v24, v47;
	v20 =	vadd.f32 v63, v51;
	v13 =	vadd.f32 v15, v13  }
0xae: {  	v8 =	vmax.f32 v11, v8;
	v11 =	vmax.f32 v54, v38;
	v18 =	vadd.f32 v42, v18  }
0xaf: {  	v11 =	vmax.f32 v11, v40;
	v53 =	vadd.f32 v10, v20;
	v13 =	vadd.f32 v52, v13  }
0xb0: {  	v59 =	vmax.f32 v19, v62;
	v55 =	vmax.f32 v14, v37;
	v11 =	vmax.f32 v11, v12  }
0xb1: {  	v16 =	vmax.f32 v16, v48;
	v15 =	vadd.f32 v45, v53;
	v13 =	vadd.f32 v18, v13  }
0xb2: {  	v57 =	vmax.f32 v55, v46;
	v9 =	vmax.f32 v11, v9;
	v56 =	vmax.f32 v16, v43  }
0xb3: {  	v8 =	vmax.f32 v9, v8;
	v58 =	vmax.f32 v56, v39;
	v13 =	vadd.f32 v15, v13  }
0xb4: {  	v17 =	vmax.f32 v17, v63;
	v11 =	vmax.f32 v57, v41;
	v8 =	vmax.f32 v8, v58  }
0xb5: {  	v60 =	vmax.f32 v17, v10;
	v11 =	vmax.f32 v11, v42;
	v8 =	vmax.f32 v8, v59;
	(xrf2) =	vadd.scan.msk.f32 $0xffff, v13  }
0xb6: {  	v61 =	vmax.f32 v60, v45;
	v8 =	vmax.f32 v8, v11  }
0xb7: {  	v8 =	vmax.f32 v8, v61  }
0xb8: {  	(xrf0) =	vmax.scan.msk.f32 $0xffff, v8;
	_ =	sdelay $0x3  }
0xb9: {  	v63 =	vmov s16;
	s16 =	sadd.s32 $0x1, s16  }
0xba: {  	p1 =	sne.s32 s16, $0x4  }
.Ltmp5:
0xbb: {  	v62, _, _ =	vpop (xrf0);
	(pc) =	sbr.rel @p1 .LBB2_10-.Ltmp5, $4  }
0xbc: {  	v8, _, _ =	vpop (xrf2)  }
0xbd: {  	v9 =	vbroadcast v62, $0xF;
	v8 =	vbroadcast v8, $0xF  }
0xbe: {  	vm0 =	veq.s32 v63, v0  }
0xbf: {  	s17 =	sadd.s32 $0x80, s17;
	v6 =	vsel vm0, v9, v6;
	v5 =	vsel vm0, v8, v5  }
0xc0: {  	(erf) = vrcp.f32 v5;
	_ =	sdelay $0x8  }
0xc1: {  	v5 =	vpop (erf)  }
0xc2: {  	v5 =	vmul.f32 v5, v6;
	_ =	sdelay $0x1  }
0xc3: {  	[tilespmem:$0x8000] =	vst v5  }
0xc4: {  	[spmem:s7] =	stream.linear.scatter [tilespmem:s11], [sflag:$0x2], $0x80, $0x38;
	[tilespmem:$0x8920] =	vst v63  }
0xc5: {  	_ =	swait.ge [sflag:s12], $0x80  }
0xc6: {  	[sflag:s12] =	ssyncset.done $0x0  }
0xc7: {  	[sflag:s12] =	ssyncadd.s32 $0xFFFFFF80  }
0xc8: {  	[bflag:$0x0] =	sbarrier.arrive $0xFFFF  }
0xc9: {  	[tilespmem:s13], [sflag:$0x2] =	stream.linear.gather @!p0 [spmem:s5], $0x800, $0x38;
	[tilespmem:$0x8920] =	vst v63  }
0xca: {  	_ =	swait.ge @!p0 [sflag:s12], $0x800  }
0xcb: {  	[sflag:s12] =	ssyncset.done @!p0 $0x0  }
0xcc: {  	[sflag:s12] =	ssyncadd.s32 @!p0 $0xFFFFF800  }
0xcd: {  	v5 =	vld.idx.msk @!p0 [tilespmem:v1+s13+$0x0], $0xffff;
	_ =	sdelay $0x4  }
0xce: {  	[tilespmem:$0x8880] =	vst @!p0 v5  }
0xcf: {  	v5 =	vld.idx.msk @!p0 [tilespmem:v2+s13+$0x0], $0xffff;
	_ =	sdelay $0x4  }
0xd0: {  	[tilespmem:$0x8890] =	vst @!p0 v5  }
0xd1: {  	v5 =	vld.idx.msk @!p0 [tilespmem:v3+s13+$0x0], $0xffff;
	_ =	sdelay $0x4  }
0xd2: {  	[tilespmem:$0x88A0] =	vst @!p0 v5  }
0xd3: {  	v5 =	vld.idx.msk @!p0 [tilespmem:v4+s13+$0x0], $0xffff;
	_ =	sdelay $0x2  }
0xd4: {  	s15 =	sadd.s32 $0x1, s15  }
0xd5: {  	p1 =	sne.s32 s15, s9  }
.Ltmp6:
0xd6: {  	[tilespmem:$0x88B0] =	vst @!p0 v5;
	(pc) =	sbr.rel @p1 .LBB2_1-.Ltmp6, $4  }
0xd7: {  	[hbm4b:s8+s1] =	stream.linear.scatter @!p0 [tilespmem:s14], [sflag:$0x2], $0x40, $0x38;
	[tilespmem:$0x8920] =	vst v63  }
0xd8: {  	_ =	swait.ge @!p0 [sflag:s12], $0x40  }
0xd9: {  	[sflag:s12] =	ssyncset.done @!p0 $0x0  }
0xda: {  	[sflag:s12] =	ssyncadd.s32 @!p0 $0xFFFFFFC0  }
0xdb: {  	_ =	sfence.sel $0x180000  }
0xdc: {  	[bflag:$0x0] =	sbarrier.arrive $0xFFFF  }
0xdd: {  	_ =	strace $0x90000047  }
0xde: {  	s0 =	sadd.s32 @!p0 $0x100000, s0;
	[bflag:$0x2] =	sbarrier.arrive $0xFFFF  }
0xdf: {  	[sflag:s0] =	ssyncadd.tile.s32 @!p0 $0x1;
	_ =	shalt  }
.Lfunc_end2:
_tile_overlayer_lowered:
.L_overlay_start_2:
0xe0: {  	(tag) =	ssettag $0x2  }
0xe1: {  	s0 =	rddreg [dreg:$0x0];
	s2 =	stileid.u32  }
0xe2: {  	s1 =	rddreg [dreg:$0x1];
	p0 =	sne.s32 s2, $0x0  }
0xe3: {  	s3 =	rddreg [dreg:$0x2];
	[bflag:$0x3] =	sbarrier.arrive $0xFFFF;
	s2 =	simm.s32 @!p0 $0x1C02  }
0xe4: {  	[timem:s3], [sflag:s2] =	dma.local @!p0 [hbm:s0], s1  }
0xe5: {  	s0 =	simm.s32 @!p0 $0x2  }
0xe6: {  	_ =	swait.ge @!p0 [sflag:s0], s1  }
0xe7: {  	s1 =	ssub.s32 @!p0 $0x0, s1;
	[sflag:s0] =	ssyncset.done @!p0 $0x0  }
0xe8: {  	[sflag:s0] =	ssyncadd.s32 @!p0 s1  }
0xe9: {  	[bflag:$0x3] =	sbarrier.arrive $0xFFFF  }
0xea: {  	_ =	shalt  }

</sc_bundles>
